<compile_context>
chip_gen: v7x
topology: tpu7x:2x2x1
jax: 0.10.2.dev20260603
libtpu: 0.0.44.dev20260713+nightly
codegen_flags: <defaults>
</compile_context>

<pallas_src>
import functools

import jax
import jax.numpy as jnp
from jax import lax
from jax.experimental import pallas as pl
from jax.experimental.pallas import tpu as pltpu
from jax.experimental.pallas import tpu_sc as plsc

B = 4096
L = 2048
BR = 256
GRID = B // BR

NS = 16
LN = 16
ELEMS = 2 * B
PER_W = ELEMS // NS
NV = PER_W // LN

_mesh = plsc.VectorSubcoreMesh(
    core_axis_name="c", subcore_axis_name="s", num_cores=1)


@functools.partial(
    pl.kernel,
    mesh=_mesh,
    out_type=[jax.ShapeDtypeStruct((NS, LN), jnp.float32),
              jax.ShapeDtypeStruct((LN,), jnp.float32)],
    scratch_types=[
        pltpu.VMEM((PER_W,), jnp.float32),
        pltpu.VMEM((LN,), jnp.float32),
        pltpu.VMEM((NS, LN), jnp.float32),
    ],
)
def _sc_ave(yf_hbm, parts_hbm, out_hbm, ybuf, part_v, gath):
    s = lax.axis_index("s")
    pltpu.sync_copy(yf_hbm.at[pl.ds(s * PER_W, PER_W)], ybuf)
    idx = lax.iota(jnp.int32, LN)
    odd = (idx % 2) == 1
    lo = jnp.where(odd, 1.0, 1.5)
    hi = jnp.where(odd, 5.0, 4.0)

    def body(i, acc):
        v = ybuf[pl.ds(i * LN, LN)]
        return acc + jnp.maximum(lo - v, 0.0) + jnp.maximum(v - hi, 0.0)

    part_v[...] = lax.fori_loop(0, NV, body, jnp.zeros((LN,), jnp.float32))
    pltpu.sync_copy(part_v, parts_hbm.at[s])
    plsc.subcore_barrier()

    @pl.when(s == 0)
    def _():
        pltpu.sync_copy(parts_hbm, gath)
        tot = gath[0]
        for i in range(1, NS):
            tot = tot + gath[i]
        part_v[...] = tot
        pltpu.sync_copy(part_v, out_hbm)


def _sinr_body(y_ref, x_ref, p_ref, out_ref, acc_ref):
    i = pl.program_id(0)

    @pl.when(i == 0)
    def _init():
        acc_ref[0] = 0.0

    x = x_ref[...]
    p = p_ref[...]
    ys = y_ref[pl.ds(i * BR, BR), :]
    y0c = ys[:, 0:1]
    y1c = ys[:, 1:2]
    xj = jnp.abs(x)
    flag_t = xj <= y1c
    flag_at = (xj <= y0c * y1c) & (xj > y1c)
    sig = jnp.where(flag_t, x, 0.0) + flag_at.astype(jnp.float32) * y1c
    n = sig - p
    pn_s = jnp.sum(n * n, axis=1)
    ps_s = jnp.sum(p * p, axis=1)
    acc_ref[0] += jnp.sum(pn_s / ps_s)

    @pl.when(i == GRID - 1)
    def _fin():
        out_ref[0, 0] = acc_ref[0] / B


def _sinr_heavy(ops):
    y_, x_, p_ = ops
    x2 = x_.reshape(B, L)
    out = pl.pallas_call(
        _sinr_body,
        grid=(GRID,),
        in_specs=[
            pl.BlockSpec(memory_space=pltpu.VMEM),
            pl.BlockSpec((BR, L), lambda i: (i, 0)),
            pl.BlockSpec((BR, L), lambda i: (i, 0)),
        ],
        out_specs=pl.BlockSpec(memory_space=pltpu.SMEM),
        out_shape=jax.ShapeDtypeStruct((1, 1), jnp.float32),
        scratch_shapes=[pltpu.SMEM((1,), jnp.float32)],
    )(y_, x2, p_)
    return out[0, 0]


def kernel(y, x, p):
    _, lanes = _sc_ave(y.reshape(ELEMS))
    ave = jnp.sum(lanes)
    return lax.cond(ave != 0.0, lambda ops: ave, _sinr_heavy, (y, x, p))

# --- scband reference (transcript-rebuilt; emitter-appended) ---
"""Pipeline reference for scband-sinrloss-43104291782714 (READ-ONLY COPY).

The authoritative reference and input builder live on the scoring server;
editing this copy changes nothing except your own understanding.
"""

import jax, jax.numpy as jnp
import numpy as np


def setup_inputs(seed: int = 0) -> dict:
    key = jax.random.key(seed)
    k1, k2, k3 = jax.random.split(key, 3)
    y = jax.random.normal(k1, (4096, 2), dtype=jnp.float32)
    x = jax.random.normal(k2, (4096, 1, 2048), dtype=jnp.float32)
    p = jax.random.normal(k3, (4096, 2048), dtype=jnp.float32)
    return {"y": y, "x": x, "p": p}


def _sinr_loss(y, x, p):
    B = x.shape[0]
    L = x.shape[2]
    x2 = x.reshape(B, L)
    y0 = y[:, 0]
    y1 = y[:, 1]
    # Penalty term: pushes y[:,0] into [1.5, 4] and y[:,1] into [1, 5]
    ave = (jnp.sum(jnp.where(y0 < 1.5, 1.5 - y0, 0.0))
           + jnp.sum(jnp.where(y0 > 4.0, y0 - 4.0, 0.0))
           + jnp.sum(jnp.where(y1 < 1.0, 1.0 - y1, 0.0))
           + jnp.sum(jnp.where(y1 > 5.0, y1 - 5.0, 0.0)))
    # Full SINR branch (vectorized over batch j); equivalent to the per-j loop
    xj = jnp.abs(x2)
    y0c = y0[:, None]
    y1c = y1[:, None]
    flag_t = xj <= y1c
    flag_at = (xj <= y0c * y1c) & (xj > y1c)
    sig = jnp.where(flag_t, x2, 0.0) + flag_at.astype(x2.dtype) * y1c
    n = jnp.abs(sig - p)
    pn = jnp.mean(n * n, axis=1)
    ps = jnp.mean(p * p, axis=1)
    sinr = jnp.mean(pn / ps)
    # torch: if AveLoss != 0: return AveLoss else return mean(sinrLoss)
    return jnp.where(ave != 0.0, ave, sinr)


def reference(y, x, p):
    return _sinr_loss(y, x, p)

if __name__ == "__main__":
    import jax
    _d = setup_inputs()
    print(jax.jit(kernel)(*tuple(_d.values())))

</pallas_src>

<mosaic_0001>
#map = affine_map<(d0, d1) -> (0)>
#map1 = affine_map<(d0, d1) -> (0, 0)>
module attributes {stable_mosaic.version = 14 : i64} {
  func.func @_sc_ave(%arg0: i32, %arg1: i32, %arg2: memref<8192xf32, #tpu.memory_space<hbm>>, %arg3: memref<16x16xf32, #tpu.memory_space<hbm>>, %arg4: memref<16xf32, #tpu.memory_space<hbm>>, %arg5: memref<512xf32, #tpu.memory_space<vmem>>, %arg6: memref<16xf32, #tpu.memory_space<vmem>>, %arg7: memref<16x16xf32, #tpu.memory_space<vmem>>) attributes {dimension_semantics = [#tpu.dimension_semantics<core_parallel>, #tpu.dimension_semantics<subcore_parallel>], iteration_bounds = array<i64: 1, 16>, scalar_prefetch = 0 : i64, scratch_operands = 3 : i64, tpu.core_type = #tpu.core_type<sc_vector_subcore>, window_params = [{transform_indices = #map}, {transform_indices = #map1}, {transform_indices = #map}]} {
    %mul3A = arith.constant 512 : i32
    %mul3A_0 = arith.muli %arg1, %mul3A : i32
    "tpu.region"() ({
      %run_scoped3A = tpu.sem_alloc : memref<!tpu.dma_semaphore, #tpu.memory_space<semaphore_mem>>
      %dma_start3A = tpu.memref_slice %arg2[%mul3A_0] : memref<8192xf32, #tpu.memory_space<hbm>> -> memref<512xf32, #tpu.memory_space<hbm>>
      %dma_start3A_40 = tpu.memref_slice %arg2[%mul3A_0] : memref<8192xf32, #tpu.memory_space<hbm>> -> memref<512xf32, #tpu.memory_space<hbm>>
      tpu.enqueue_dma source(%dma_start3A_40 : memref<512xf32, #tpu.memory_space<hbm>>) target(%arg5 : memref<512xf32, #tpu.memory_space<vmem>>) target_semaphore(%run_scoped3A : memref<!tpu.dma_semaphore, #tpu.memory_space<semaphore_mem>>)
      %dma_wait3A = tpu.memref_slice %arg2[%mul3A_0] : memref<8192xf32, #tpu.memory_space<hbm>> -> memref<512xf32, #tpu.memory_space<hbm>>
      %dma_wait3A_41 = tpu.memref_slice %arg2[%mul3A_0] : memref<8192xf32, #tpu.memory_space<hbm>> -> memref<512xf32, #tpu.memory_space<hbm>>
      tpu.wait_dma2 semaphore(%run_scoped3A : memref<!tpu.dma_semaphore, #tpu.memory_space<semaphore_mem>>) src(%dma_wait3A_41 : memref<512xf32, #tpu.memory_space<hbm>>) dst(%arg5 : memref<512xf32, #tpu.memory_space<vmem>>)
      tpu.yield
    }) : () -> ()
    %iota3A = tpu.iota {dimensions = array<i32: 0>} : vector<16xi32>
    %jit3A = arith.constant 2 : i32
    %eq3A = arith.constant 0 : i32
    %eq3A_1 = arith.cmpi eq, %jit3A, %eq3A : i32
    %jit3A_2 = arith.constant 1 : i32
    %select_n3A = arith.select %eq3A_1, %jit3A_2, %jit3A : i32
    %rem3A = vector.broadcast %select_n3A : i32 to vector<16xi32>
    %rem3A_3 = arith.remsi %iota3A, %rem3A : vector<16xi32>
    %ne3A = arith.constant 0 : i32
    %ne3A_4 = vector.broadcast %ne3A : i32 to vector<16xi32>
    %ne3A_5 = arith.cmpi ne, %rem3A_3, %ne3A_4 : vector<16xi32>
    %lt3A = arith.constant 0 : i32
    %lt3A_6 = vector.broadcast %lt3A : i32 to vector<16xi32>
    %lt3A_7 = arith.cmpi slt, %rem3A_3, %lt3A_6 : vector<16xi32>
    %lt3A_8 = arith.constant 0 : i32
    %lt3A_9 = arith.cmpi slt, %select_n3A, %lt3A_8 : i32
    %ne3A_10 = vector.broadcast %lt3A_9 : i1 to vector<16xi1>
    %ne3A_11 = vector.broadcast %ne3A_10 : vector<16xi1> to vector<16xi1>
    %ne3A_12 = arith.xori %lt3A_7, %ne3A_11 : vector<16xi1>
    %and3A = arith.andi %ne3A_12, %ne3A_5 : vector<16xi1>
    %add3A = vector.broadcast %select_n3A : i32 to vector<16xi32>
    %add3A_13 = arith.addi %rem3A_3, %add3A : vector<16xi32>
    %select_n3A_14 = arith.select %and3A, %add3A_13, %rem3A_3 : vector<16xi1>, vector<16xi32>
    %eq3A_15 = arith.constant 1 : i32
    %eq3A_16 = vector.broadcast %eq3A_15 : i32 to vector<16xi32>
    %eq3A_17 = arith.cmpi eq, %select_n3A_14, %eq3A_16 : vector<16xi32>
    %jit3A_18 = arith.constant 1.000000e+00 : f32
    %jit3A_19 = arith.constant 1.500000e+00 : f32
    %broadcast_in_dim3A = vector.broadcast %jit3A_18 : f32 to vector<16xf32>
    %broadcast_in_dim3A_20 = vector.broadcast %jit3A_19 : f32 to vector<16xf32>
    %select_n3A_21 = arith.select %eq3A_17, %broadcast_in_dim3A, %broadcast_in_dim3A_20 : vector<16xi1>, vector<16xf32>
    %jit3A_22 = arith.constant 5.000000e+00 : f32
    %jit3A_23 = arith.constant 4.000000e+00 : f32
    %broadcast_in_dim3A_24 = vector.broadcast %jit3A_22 : f32 to vector<16xf32>
    %broadcast_in_dim3A_25 = vector.broadcast %jit3A_23 : f32 to vector<16xf32>
    %select_n3A_26 = arith.select %eq3A_17, %broadcast_in_dim3A_24, %broadcast_in_dim3A_25 : vector<16xi1>, vector<16xf32>
    %broadcast_in_dim3A_27 = arith.constant 0.000000e+00 : f32
    %broadcast_in_dim3A_28 = vector.broadcast %broadcast_in_dim3A_27 : f32 to vector<16xf32>
    %scan3A = arith.constant 0 : i32
    %scan3A_29 = arith.constant 32 : i32
    %scan3A_30 = arith.addi %scan3A, %scan3A_29 : i32
    %scan3A_31 = arith.constant 1 : i32
    %scan3A_32 = scf.for %scan3A_40 = %scan3A to %scan3A_30 step %scan3A_31 iter_args(%scan3A_41 = %broadcast_in_dim3A_28) -> (vector<16xf32>)  : i32 {
      %mul3A_42 = arith.constant 16 : i32
      %mul3A_43 = arith.muli %scan3A_40, %mul3A_42 : i32
      %get3A = arith.index_cast %mul3A_43 : i32 to index
      %get3A_44 = tpu.vector_load %arg5[%get3A] {strides = array<i32>} : memref<512xf32, #tpu.memory_space<vmem>>, vector<16xf32>,
      %get3A_45 = vector.shape_cast %get3A_44 : vector<16xf32> to vector<16xf32>
      %sub3A = arith.subf %select_n3A_21, %get3A_45 : vector<16xf32>
      %max3A = arith.constant 0.000000e+00 : f32
      %max3A_46 = vector.broadcast %max3A : f32 to vector<16xf32>
      %max3A_47 = arith.maximumf %sub3A, %max3A_46 : vector<16xf32>
      %add3A_48 = arith.addf %scan3A_41, %max3A_47 : vector<16xf32>
      %sub3A_49 = arith.subf %get3A_45, %select_n3A_26 : vector<16xf32>
      %max3A_50 = arith.constant 0.000000e+00 : f32
      %max3A_51 = vector.broadcast %max3A_50 : f32 to vector<16xf32>
      %max3A_52 = arith.maximumf %sub3A_49, %max3A_51 : vector<16xf32>
      %add3A_53 = arith.addf %add3A_48, %max3A_52 : vector<16xf32>
      scf.yield %add3A_53 : vector<16xf32>
    }
    %scan3A_33 = arith.constant 32 : i32
    %swap3A = arith.constant 0 : index
    %swap3A_34 = tpu.vector_load %arg6[%swap3A] {strides = array<i32>} : memref<16xf32, #tpu.memory_space<vmem>>, vector<16xf32>,
    %swap3A_35 = vector.shape_cast %swap3A_34 : vector<16xf32> to vector<16xf32>
    %swap3A_36 = vector.shape_cast %scan3A_32 : vector<16xf32> to vector<16xf32>
    tpu.vector_store %arg6[%swap3A], %swap3A_36 {strides = array<i32>} : memref<16xf32, #tpu.memory_space<vmem>>, vector<16xf32>,
    "tpu.region"() ({
      %run_scoped3A = tpu.sem_alloc : memref<!tpu.dma_semaphore, #tpu.memory_space<semaphore_mem>>
      %dma_start3A = arith.constant 0 : i32
      %dma_start3A_40 = tpu.memref_slice %arg3[%arg1, %dma_start3A] : memref<16x16xf32, #tpu.memory_space<hbm>> -> memref<1x16xf32, #tpu.memory_space<hbm>>
      %dma_start3A_41 = tpu.memref_squeeze %dma_start3A_40 : memref<1x16xf32, #tpu.memory_space<hbm>> -> memref<16xf32, #tpu.memory_space<hbm>>
      %dma_start3A_42 = arith.constant 0 : i32
      %dma_start3A_43 = tpu.memref_slice %arg3[%arg1, %dma_start3A_42] : memref<16x16xf32, #tpu.memory_space<hbm>> -> memref<1x16xf32, #tpu.memory_space<hbm>>
      %dma_start3A_44 = tpu.memref_squeeze %dma_start3A_43 : memref<1x16xf32, #tpu.memory_space<hbm>> -> memref<16xf32, #tpu.memory_space<hbm>>
      tpu.enqueue_dma source(%arg6 : memref<16xf32, #tpu.memory_space<vmem>>) target(%dma_start3A_44 : memref<16xf32, #tpu.memory_space<hbm>>) target_semaphore(%run_scoped3A : memref<!tpu.dma_semaphore, #tpu.memory_space<semaphore_mem>>)
      %dma_wait3A = arith.constant 0 : i32
      %dma_wait3A_45 = tpu.memref_slice %arg3[%arg1, %dma_wait3A] : memref<16x16xf32, #tpu.memory_space<hbm>> -> memref<1x16xf32, #tpu.memory_space<hbm>>
      %dma_wait3A_46 = tpu.memref_squeeze %dma_wait3A_45 : memref<1x16xf32, #tpu.memory_space<hbm>> -> memref<16xf32, #tpu.memory_space<hbm>>
      %dma_wait3A_47 = arith.constant 0 : i32
      %dma_wait3A_48 = tpu.memref_slice %arg3[%arg1, %dma_wait3A_47] : memref<16x16xf32, #tpu.memory_space<hbm>> -> memref<1x16xf32, #tpu.memory_space<hbm>>
      %dma_wait3A_49 = tpu.memref_squeeze %dma_wait3A_48 : memref<1x16xf32, #tpu.memory_space<hbm>> -> memref<16xf32, #tpu.memory_space<hbm>>
      tpu.wait_dma2 semaphore(%run_scoped3A : memref<!tpu.dma_semaphore, #tpu.memory_space<semaphore_mem>>) src(%arg6 : memref<16xf32, #tpu.memory_space<vmem>>) dst(%dma_wait3A_49 : memref<16xf32, #tpu.memory_space<hbm>>)
      tpu.yield
    }) : () -> ()
    %barrier3A = arith.constant 0 : index
    tpu.barrier barrier_id(%barrier3A)
    %eq3A_37 = arith.constant 0 : i32
    %eq3A_38 = arith.cmpi eq, %arg1, %eq3A_37 : i32
    %convert_element_type3A = arith.extui %eq3A_38 : i1 to i32
    %cond3A = arith.constant 0 : i32
    %cond3A_39 = arith.cmpi ne, %convert_element_type3A, %cond3A : i32
    scf.if %cond3A_39 {
      "tpu.region"() ({
        %run_scoped3A = tpu.sem_alloc : memref<!tpu.dma_semaphore, #tpu.memory_space<semaphore_mem>>
        tpu.enqueue_dma source(%arg3 : memref<16x16xf32, #tpu.memory_space<hbm>>) target(%arg7 : memref<16x16xf32, #tpu.memory_space<vmem>>) target_semaphore(%run_scoped3A : memref<!tpu.dma_semaphore, #tpu.memory_space<semaphore_mem>>)
        tpu.wait_dma2 semaphore(%run_scoped3A : memref<!tpu.dma_semaphore, #tpu.memory_space<semaphore_mem>>) src(%arg3 : memref<16x16xf32, #tpu.memory_space<hbm>>) dst(%arg7 : memref<16x16xf32, #tpu.memory_space<vmem>>)
        tpu.yield
      }) : () -> ()
      %get3A = arith.constant 0 : i32
      %get3A_40 = arith.index_cast %get3A : i32 to index
      %get3A_41 = arith.constant 0 : index
      %get3A_42 = tpu.vector_load %arg7[%get3A_40, %get3A_41] {strides = array<i32>} : memref<16x16xf32, #tpu.memory_space<vmem>>, vector<1x16xf32>,
      %get3A_43 = vector.shape_cast %get3A_42 : vector<1x16xf32> to vector<16xf32>
      %get3A_44 = arith.constant 1 : i32
      %get3A_45 = arith.index_cast %get3A_44 : i32 to index
      %get3A_46 = arith.constant 0 : index
      %get3A_47 = tpu.vector_load %arg7[%get3A_45, %get3A_46] {strides = array<i32>} : memref<16x16xf32, #tpu.memory_space<vmem>>, vector<1x16xf32>,
      %get3A_48 = vector.shape_cast %get3A_47 : vector<1x16xf32> to vector<16xf32>
      %add3A_49 = arith.addf %get3A_43, %get3A_48 : vector<16xf32>
      %get3A_50 = arith.constant 2 : i32
      %get3A_51 = arith.index_cast %get3A_50 : i32 to index
      %get3A_52 = arith.constant 0 : index
      %get3A_53 = tpu.vector_load %arg7[%get3A_51, %get3A_52] {strides = array<i32>} : memref<16x16xf32, #tpu.memory_space<vmem>>, vector<1x16xf32>,
      %get3A_54 = vector.shape_cast %get3A_53 : vector<1x16xf32> to vector<16xf32>
      %add3A_55 = arith.addf %add3A_49, %get3A_54 : vector<16xf32>
      %get3A_56 = arith.constant 3 : i32
      %get3A_57 = arith.index_cast %get3A_56 : i32 to index
      %get3A_58 = arith.constant 0 : index
      %get3A_59 = tpu.vector_load %arg7[%get3A_57, %get3A_58] {strides = array<i32>} : memref<16x16xf32, #tpu.memory_space<vmem>>, vector<1x16xf32>,
      %get3A_60 = vector.shape_cast %get3A_59 : vector<1x16xf32> to vector<16xf32>
      %add3A_61 = arith.addf %add3A_55, %get3A_60 : vector<16xf32>
      %get3A_62 = arith.constant 4 : i32
      %get3A_63 = arith.index_cast %get3A_62 : i32 to index
      %get3A_64 = arith.constant 0 : index
      %get3A_65 = tpu.vector_load %arg7[%get3A_63, %get3A_64] {strides = array<i32>} : memref<16x16xf32, #tpu.memory_space<vmem>>, vector<1x16xf32>,
      %get3A_66 = vector.shape_cast %get3A_65 : vector<1x16xf32> to vector<16xf32>
      %add3A_67 = arith.addf %add3A_61, %get3A_66 : vector<16xf32>
      %get3A_68 = arith.constant 5 : i32
      %get3A_69 = arith.index_cast %get3A_68 : i32 to index
      %get3A_70 = arith.constant 0 : index
      %get3A_71 = tpu.vector_load %arg7[%get3A_69, %get3A_70] {strides = array<i32>} : memref<16x16xf32, #tpu.memory_space<vmem>>, vector<1x16xf32>,
      %get3A_72 = vector.shape_cast %get3A_71 : vector<1x16xf32> to vector<16xf32>
      %add3A_73 = arith.addf %add3A_67, %get3A_72 : vector<16xf32>
      %get3A_74 = arith.constant 6 : i32
      %get3A_75 = arith.index_cast %get3A_74 : i32 to index
      %get3A_76 = arith.constant 0 : index
      %get3A_77 = tpu.vector_load %arg7[%get3A_75, %get3A_76] {strides = array<i32>} : memref<16x16xf32, #tpu.memory_space<vmem>>, vector<1x16xf32>,
      %get3A_78 = vector.shape_cast %get3A_77 : vector<1x16xf32> to vector<16xf32>
      %add3A_79 = arith.addf %add3A_73, %get3A_78 : vector<16xf32>
      %get3A_80 = arith.constant 7 : i32
      %get3A_81 = arith.index_cast %get3A_80 : i32 to index
      %get3A_82 = arith.constant 0 : index
      %get3A_83 = tpu.vector_load %arg7[%get3A_81, %get3A_82] {strides = array<i32>} : memref<16x16xf32, #tpu.memory_space<vmem>>, vector<1x16xf32>,
      %get3A_84 = vector.shape_cast %get3A_83 : vector<1x16xf32> to vector<16xf32>
      %add3A_85 = arith.addf %add3A_79, %get3A_84 : vector<16xf32>
      %get3A_86 = arith.constant 8 : i32
      %get3A_87 = arith.index_cast %get3A_86 : i32 to index
      %get3A_88 = arith.constant 0 : index
      %get3A_89 = tpu.vector_load %arg7[%get3A_87, %get3A_88] {strides = array<i32>} : memref<16x16xf32, #tpu.memory_space<vmem>>, vector<1x16xf32>,
      %get3A_90 = vector.shape_cast %get3A_89 : vector<1x16xf32> to vector<16xf32>
      %add3A_91 = arith.addf %add3A_85, %get3A_90 : vector<16xf32>
      %get3A_92 = arith.constant 9 : i32
      %get3A_93 = arith.index_cast %get3A_92 : i32 to index
      %get3A_94 = arith.constant 0 : index
      %get3A_95 = tpu.vector_load %arg7[%get3A_93, %get3A_94] {strides = array<i32>} : memref<16x16xf32, #tpu.memory_space<vmem>>, vector<1x16xf32>,
      %get3A_96 = vector.shape_cast %get3A_95 : vector<1x16xf32> to vector<16xf32>
      %add3A_97 = arith.addf %add3A_91, %get3A_96 : vector<16xf32>
      %get3A_98 = arith.constant 10 : i32
      %get3A_99 = arith.index_cast %get3A_98 : i32 to index
      %get3A_100 = arith.constant 0 : index
      %get3A_101 = tpu.vector_load %arg7[%get3A_99, %get3A_100] {strides = array<i32>} : memref<16x16xf32, #tpu.memory_space<vmem>>, vector<1x16xf32>,
      %get3A_102 = vector.shape_cast %get3A_101 : vector<1x16xf32> to vector<16xf32>
      %add3A_103 = arith.addf %add3A_97, %get3A_102 : vector<16xf32>
      %get3A_104 = arith.constant 11 : i32
      %get3A_105 = arith.index_cast %get3A_104 : i32 to index
      %get3A_106 = arith.constant 0 : index
      %get3A_107 = tpu.vector_load %arg7[%get3A_105, %get3A_106] {strides = array<i32>} : memref<16x16xf32, #tpu.memory_space<vmem>>, vector<1x16xf32>,
      %get3A_108 = vector.shape_cast %get3A_107 : vector<1x16xf32> to vector<16xf32>
      %add3A_109 = arith.addf %add3A_103, %get3A_108 : vector<16xf32>
      %get3A_110 = arith.constant 12 : i32
      %get3A_111 = arith.index_cast %get3A_110 : i32 to index
      %get3A_112 = arith.constant 0 : index
      %get3A_113 = tpu.vector_load %arg7[%get3A_111, %get3A_112] {strides = array<i32>} : memref<16x16xf32, #tpu.memory_space<vmem>>, vector<1x16xf32>,
      %get3A_114 = vector.shape_cast %get3A_113 : vector<1x16xf32> to vector<16xf32>
      %add3A_115 = arith.addf %add3A_109, %get3A_114 : vector<16xf32>
      %get3A_116 = arith.constant 13 : i32
      %get3A_117 = arith.index_cast %get3A_116 : i32 to index
      %get3A_118 = arith.constant 0 : index
      %get3A_119 = tpu.vector_load %arg7[%get3A_117, %get3A_118] {strides = array<i32>} : memref<16x16xf32, #tpu.memory_space<vmem>>, vector<1x16xf32>,
      %get3A_120 = vector.shape_cast %get3A_119 : vector<1x16xf32> to vector<16xf32>
      %add3A_121 = arith.addf %add3A_115, %get3A_120 : vector<16xf32>
      %get3A_122 = arith.constant 14 : i32
      %get3A_123 = arith.index_cast %get3A_122 : i32 to index
      %get3A_124 = arith.constant 0 : index
      %get3A_125 = tpu.vector_load %arg7[%get3A_123, %get3A_124] {strides = array<i32>} : memref<16x16xf32, #tpu.memory_space<vmem>>, vector<1x16xf32>,
      %get3A_126 = vector.shape_cast %get3A_125 : vector<1x16xf32> to vector<16xf32>
      %add3A_127 = arith.addf %add3A_121, %get3A_126 : vector<16xf32>
      %get3A_128 = arith.constant 15 : i32
      %get3A_129 = arith.index_cast %get3A_128 : i32 to index
      %get3A_130 = arith.constant 0 : index
      %get3A_131 = tpu.vector_load %arg7[%get3A_129, %get3A_130] {strides = array<i32>} : memref<16x16xf32, #tpu.memory_space<vmem>>, vector<1x16xf32>,
      %get3A_132 = vector.shape_cast %get3A_131 : vector<1x16xf32> to vector<16xf32>
      %add3A_133 = arith.addf %add3A_127, %get3A_132 : vector<16xf32>
      %swap3A_134 = arith.constant 0 : index
      %swap3A_135 = tpu.vector_load %arg6[%swap3A_134] {strides = array<i32>} : memref<16xf32, #tpu.memory_space<vmem>>, vector<16xf32>,
      %swap3A_136 = vector.shape_cast %swap3A_135 : vector<16xf32> to vector<16xf32>
      %swap3A_137 = vector.shape_cast %add3A_133 : vector<16xf32> to vector<16xf32>
      tpu.vector_store %arg6[%swap3A_134], %swap3A_137 {strides = array<i32>} : memref<16xf32, #tpu.memory_space<vmem>>, vector<16xf32>,
      "tpu.region"() ({
        %run_scoped3A = tpu.sem_alloc : memref<!tpu.dma_semaphore, #tpu.memory_space<semaphore_mem>>
        tpu.enqueue_dma source(%arg6 : memref<16xf32, #tpu.memory_space<vmem>>) target(%arg4 : memref<16xf32, #tpu.memory_space<hbm>>) target_semaphore(%run_scoped3A : memref<!tpu.dma_semaphore, #tpu.memory_space<semaphore_mem>>)
        tpu.wait_dma2 semaphore(%run_scoped3A : memref<!tpu.dma_semaphore, #tpu.memory_space<semaphore_mem>>) src(%arg6 : memref<16xf32, #tpu.memory_space<vmem>>) dst(%arg4 : memref<16xf32, #tpu.memory_space<hbm>>)
        tpu.yield
      }) : () -> ()
    } else {
    }
    return
  }
}

module attributes {stable_mosaic.version = 14 : i64} {
  func.func @_sinr_body(%arg0: i32, %arg1: memref<4096x2xf32, #tpu.memory_space<vmem>>, %arg2: memref<256x2048xf32, #tpu.memory_space<vmem>>, %arg3: memref<256x2048xf32, #tpu.memory_space<vmem>>, %arg4: memref<1x1xf32, #tpu.memory_space<smem>>, %arg5: memref<1xf32, #tpu.memory_space<smem>>) attributes {dimension_semantics = [#tpu.dimension_semantics<arbitrary>], iteration_bounds = array<i64: 16>, scalar_prefetch = 0 : i64, scratch_operands = 1 : i64, tpu.core_type = #tpu.core_type<tc>, window_params = [{pipeline_mode = #tpu.pipeline_mode<synchronous>, transform_indices = @transform_0, window_bounds = array<i64: 4096, 2>}, {transform_indices = @transform_1, window_bounds = array<i64: 256, 2048>}, {transform_indices = @transform_2, window_bounds = array<i64: 256, 2048>}, {transform_indices = @transform_3, window_bounds = array<i64: 1, 1>}]} {
    %eq3A = arith.constant 0 : i32
    %eq3A_0 = arith.cmpi eq, %arg0, %eq3A : i32
    %convert_element_type3A = arith.extui %eq3A_0 : i1 to i32
    %cond3A = arith.constant 0 : i32
    %cond3A_1 = arith.cmpi ne, %convert_element_type3A, %cond3A : i32
    scf.if %cond3A_1 {
      %swap3A_40 = arith.constant 0.000000e+00 : f32
      %swap3A_41 = arith.constant 0 : index
      %swap3A_42 = memref.load %arg5[%swap3A_41] : memref<1xf32, #tpu.memory_space<smem>>
      memref.store %swap3A_40, %arg5[%swap3A_41] : memref<1xf32, #tpu.memory_space<smem>>
    } else {
    }
    %get3A = arith.constant 0 : index
    %get3A_2 = arith.constant 0 : index
    %get3A_3 = vector.load %arg2[%get3A, %get3A_2] : memref<256x2048xf32, #tpu.memory_space<vmem>>, vector<256x2048xf32>
    %get3A_4 = arith.constant 0 : index
    %get3A_5 = arith.constant 0 : index
    %get3A_6 = vector.load %arg3[%get3A_4, %get3A_5] : memref<256x2048xf32, #tpu.memory_space<vmem>>, vector<256x2048xf32>
    %mul3A = arith.constant 256 : i32
    %mul3A_7 = arith.muli %arg0, %mul3A : i32
    %get3A_8 = arith.index_cast %mul3A_7 : i32 to index
    %get3A_9 = arith.constant 0 : index
    %get3A_10 = vector.load %arg1[%get3A_8, %get3A_9] : memref<4096x2xf32, #tpu.memory_space<vmem>>, vector<256x2xf32>
    %slice3A = vector.extract_strided_slice %get3A_10 {offsets = [0, 0], sizes = [256, 1], strides = [1, 1]} : vector<256x2xf32> to vector<256x1xf32>
    %slice3A_11 = vector.extract_strided_slice %get3A_10 {offsets = [0, 1], sizes = [256, 1], strides = [1, 1]} : vector<256x2xf32> to vector<256x1xf32>
    %abs3A = math.absf %get3A_3 : vector<256x2048xf32>
    %le3A = vector.broadcast %slice3A_11 : vector<256x1xf32> to vector<256x2048xf32>
    %le3A_12 = arith.cmpf ole, %abs3A, %le3A : vector<256x2048xf32>
    %mul3A_13 = arith.mulf %slice3A, %slice3A_11 : vector<256x1xf32>
    %le3A_14 = vector.broadcast %mul3A_13 : vector<256x1xf32> to vector<256x2048xf32>
    %le3A_15 = arith.cmpf ole, %abs3A, %le3A_14 : vector<256x2048xf32>
    %gt3A = vector.broadcast %slice3A_11 : vector<256x1xf32> to vector<256x2048xf32>
    %gt3A_16 = arith.cmpf ogt, %abs3A, %gt3A : vector<256x2048xf32>
    %and3A = arith.andi %le3A_15, %gt3A_16 : vector<256x2048xi1>
    %jit3A = arith.constant 0.000000e+00 : f32
    %broadcast_in_dim3A = vector.broadcast %jit3A : f32 to vector<256x2048xf32>
    %select_n3A = arith.select %le3A_12, %get3A_3, %broadcast_in_dim3A : vector<256x2048xi1>, vector<256x2048xf32>
    %convert_element_type3A_17 = arith.extui %and3A : vector<256x2048xi1> to vector<256x2048xi32>
    %convert_element_type3A_18 = arith.sitofp %convert_element_type3A_17 : vector<256x2048xi32> to vector<256x2048xf32>
    %mul3A_19 = vector.broadcast %slice3A_11 : vector<256x1xf32> to vector<256x2048xf32>
    %mul3A_20 = arith.mulf %convert_element_type3A_18, %mul3A_19 : vector<256x2048xf32>
    %add3A = arith.addf %select_n3A, %mul3A_20 : vector<256x2048xf32>
    %sub3A = arith.subf %add3A, %get3A_6 : vector<256x2048xf32>
    %mul3A_21 = arith.mulf %sub3A, %sub3A : vector<256x2048xf32>
    %reduce_sum3A = arith.constant dense<0.000000e+00> : vector<256xf32>
    %reduce_sum3A_22 = vector.multi_reduction <add>, %mul3A_21, %reduce_sum3A [1] : vector<256x2048xf32> to vector<256xf32>
    %mul3A_23 = arith.mulf %get3A_6, %get3A_6 : vector<256x2048xf32>
    %reduce_sum3A_24 = arith.constant dense<0.000000e+00> : vector<256xf32>
    %reduce_sum3A_25 = vector.multi_reduction <add>, %mul3A_23, %reduce_sum3A_24 [1] : vector<256x2048xf32> to vector<256xf32>
    %get3A_26 = arith.constant 0 : index
    %get3A_27 = memref.load %arg5[%get3A_26] : memref<1xf32, #tpu.memory_space<smem>>
    %div3A = arith.divf %reduce_sum3A_22, %reduce_sum3A_25 : vector<256xf32>
    %reduce_sum3A_28 = vector.shape_cast %div3A : vector<256xf32> to vector<1x256xf32>
    %reduce_sum3A_29 = arith.constant dense<0.000000e+00> : vector<1xf32>
    %reduce_sum3A_30 = vector.multi_reduction <add>, %reduce_sum3A_28, %reduce_sum3A_29 [1] : vector<1x256xf32> to vector<1xf32>
    %reduce_sum3A_31 = vector.shape_cast %reduce_sum3A_30 : vector<1xf32> to vector<1x1xf32>
    %reduce_sum3A_32 = vector.extract %reduce_sum3A_31[0, 0] : f32 from vector<1x1xf32>
    %add3A_33 = arith.addf %get3A_27, %reduce_sum3A_32 : f32
    %swap3A = arith.constant 0 : index
    %swap3A_34 = memref.load %arg5[%swap3A] : memref<1xf32, #tpu.memory_space<smem>>
    memref.store %add3A_33, %arg5[%swap3A] : memref<1xf32, #tpu.memory_space<smem>>
    %eq3A_35 = arith.constant 15 : i32
    %eq3A_36 = arith.cmpi eq, %arg0, %eq3A_35 : i32
    %convert_element_type3A_37 = arith.extui %eq3A_36 : i1 to i32
    %cond3A_38 = arith.constant 0 : i32
    %cond3A_39 = arith.cmpi ne, %convert_element_type3A_37, %cond3A_38 : i32
    scf.if %cond3A_39 {
      %get3A_40 = arith.constant 0 : index
      %get3A_41 = memref.load %arg5[%get3A_40] : memref<1xf32, #tpu.memory_space<smem>>
      %div3A_42 = arith.constant 4.096000e+03 : f32
      %div3A_43 = arith.divf %get3A_41, %div3A_42 : f32
      %swap3A_44 = arith.constant 0 : index
      %swap3A_45 = arith.constant 0 : index
      %swap3A_46 = memref.load %arg4[%swap3A_44, %swap3A_45] : memref<1x1xf32, #tpu.memory_space<smem>>
      memref.store %div3A_43, %arg4[%swap3A_44, %swap3A_45] : memref<1x1xf32, #tpu.memory_space<smem>>
    } else {
    }
    return
  }
  func.func @transform_0(%arg0: i32) -> (i32, i32) {
    %c0_i32 = arith.constant 0 : i32
    %c0_i32_0 = arith.constant 0 : i32
    %c0_i32_1 = arith.constant 0 : i32
    return %c0_i32, %c0_i32_0 : i32, i32
  }
  func.func @transform_1(%arg0: i32) -> (i32, i32) {
    %c0_i32 = arith.constant 0 : i32
    %c0_i32_0 = arith.constant 0 : i32
    return %arg0, %c0_i32 : i32, i32
  }
  func.func @transform_2(%arg0: i32) -> (i32, i32) {
    %c0_i32 = arith.constant 0 : i32
    %c0_i32_0 = arith.constant 0 : i32
    return %arg0, %c0_i32 : i32, i32
  }
  func.func @transform_3(%arg0: i32) -> (i32, i32) {
    %c0_i32 = arith.constant 0 : i32
    %c0_i32_0 = arith.constant 0 : i32
    %c0_i32_1 = arith.constant 0 : i32
    return %c0_i32, %c0_i32_0 : i32, i32
  }
}

</mosaic_0001>

<sc_bundles>
// kernel: kernel.3.cloned.1.call-start
scs
__scs_entry_jumppad:
0x0: {  	(pc) =	sbr.rel $0x88, $3  }
0x1: {  	(tag) =	ssettag $0x0;
	lr =	simm.s32 $0x1  }
0x2: {  	[smem:$0x3F9E] =	sst lr;
	_ =	strace $0xD0000000  }
0x3: {  	_ = 	snop  }
0x4: {  	_ = 	snop  }
0x5: {  	_ = 	snop  }
0x6: {  	_ = 	snop  }
0x7: {  	_ = 	snop  }
__scs_overlays_trampoline_lowered:
0x8: {  	[smem:$0x3FAD] =	sst s0  }
0x9: {  	[smem:$0x3FAE] =	sst s1  }
0xa: {  	[smem:$0x3FAF] =	sst s2  }
0xb: {  	[smem:$0x3FB0] =	sst s3  }
0xc: {  	[smem:$0x3FB1] =	sst s4  }
0xd: {  	[smem:$0x3FB2] =	sst s5  }
0xe: {  	[smem:$0x3FB3] =	sst s6  }
0xf: {  	[smem:$0x3FB4] =	sst s7  }
0x10: {  	[smem:$0x3FB5] =	sst s8  }
0x11: {  	[smem:$0x3FB6] =	sst s9;
	s0 =	simm.s32 @!p0 $0x0  }
0x12: {  	s1 =	sld [smem:$0x3F9C];
	s0 =	simm.s32 @p0 $0x1  }
0x13: {  	[smem:$0x3FB7] =	sst s0;
	s0 =	simm.s32 @!p1 $0x0  }
0x14: {  	s2 =	sld [smem:$0x3F9B];
	s0 =	simm.s32 @p1 $0x1  }
0x15: {  	[smem:$0x3FB8] =	sst s0;
	s0 =	simm.s32 @!p2 $0x0  }
0x16: {  	s3 =	sld [smem:$0x3FDB];
	s0 =	simm.s32 @p2 $0x1  }
0x17: {  	s4 =	simm.s32 $0x1BF5;
	[smem:$0x3FBA] =	sst s0  }
0x18: {  	s0 =	sld [smem:$0x3F9D];
	_ =	swait.ge [sflag:s4], $0x0  }
0x19: {  	s7 =	sld [smem:$0x3F9E]  }
0x1a: {  	s8 =	sadd.s32 $0xFFFFE003, lr  }
0x1b: {  	s9 =	sadd.s32 $0xFFFFFEF7, lr;
	s5 =	simm.s32 $0xFFFFFFFF;
	p2 =	slt.u32 s8, $0xFFFFF086  }
0x1c: {  	p1 =	slt.u32 s9, $0xF7A;
	s5 =	simm.s32 @!p2 $0x0  }
0x1d: {  	s5 =	simm.s32 @p1 $0x1;
	p0 =	seq.s32 s7, s2  }
0x1e: {  	s7 =	smul.u32 @!p0 $0xF7A, s2;
	p2 =	seq.s32 @!p0 s5, $0x0  }
0x1f: {  	s9 =	smul.u32 $0xF7A, s1;
	s8 =	simm.s32 @!p0 $0x1BF5;
	p2 =	por !p2, p0  }
0x20: {  	[sflag:s8] =	ssyncset.s32 @!p0 $0xFFFFF086;
	s6 =	sadd.s32 @!p0 s3, s7;
	s7 =	simm.s32 @!p0 $0x108  }
0x21: {  	s3 =	sadd.s32 s3, s9;
	s6 =	sadd.s32 @!p0 $0x88, s6;
	s7 =	simm.s32 @p2 $0x1082  }
0x22: {  	[simem:s7], [sflag:s8] =	dma.local @!p0 [hbm:s6], $0xF7A  }
0x23: {  	s9 =	sor.u32 $0xD0000000, s2;
	s6 =	simm.s32 $0x108;
	_ =	swait.ge @!p0 [sflag:s8], $0x0  }
0x24: {  	s3 =	sadd.s32 $0x88, s3;
	s6 =	simm.s32 @!p1 $0x1082;
	[sflag:s4] =	ssyncset.s32 $0xFFFFF086  }
0x25: {  	[simem:s6], [sflag:s4] =	dma.local [hbm:s3], $0xF7A  }
0x26: {  	[smem:$0x3F9E] =	sst s1;
	(tag) =	ssettag s2;
	_ =	strace s9  }
0x27: {  	s1 =	sld [smem:$0x3FAE]  }
0x28: {  	s2 =	sld [smem:$0x3FAF]  }
0x29: {  	s4 =	sld [smem:$0x3FB1]  }
0x2a: {  	p0 =	seq.s32 s5, $0x0;
	s5 =	sld [smem:$0x3FB2]  }
0x2b: {  	s6 =	sld [smem:$0x3FB3]  }
0x2c: {  	s7 =	sld [smem:$0x3FB4]  }
0x2d: {  	s3 =	simm.s32 $0x108;
	s8 =	sld [smem:$0x3FB5]  }
0x2e: {  	s3 =	simm.s32 @!p0 $0x1082;
	s9 =	sld [smem:$0x3FB6]  }
0x2f: {  	lr =	sadd.s32 s0, s3;
	s0 =	sld [smem:$0x3FAD]  }
0x30: {  	s3 =	sld [smem:$0x3FB0]  }
0x31: {  	[smem:$0x3FB9] =	sst s10  }
0x32: {  	s10 =	sld [smem:$0x3FB7];
	_ =	sdelay $0x3  }
0x33: {  	p0 =	seq.s32 s10, $0x1;
	s10 =	sld [smem:$0x3FB9];
	_ =	sdelay $0x3  }
0x34: {  	[smem:$0x3FB9] =	sst s10  }
0x35: {  	s10 =	sld [smem:$0x3FB8];
	_ =	sdelay $0x3  }
0x36: {  	p1 =	seq.s32 s10, $0x1;
	s10 =	sld [smem:$0x3FB9];
	_ =	sdelay $0x3  }
0x37: {  	[smem:$0x3FB9] =	sst s10  }
0x38: {  	s10 =	sld [smem:$0x3FBA]  }
0x39: {  	_ = 	snop;
	(pc) =	sbr.ind lr, $3  }
0x3a: {  	_ = 	snop  }
0x3b: {  	_ = 	snop  }
0x3c: {  	p2 =	seq.s32 s10, $0x1;
	s10 =	sld [smem:$0x3FB9]  }
0x3d: {  	_ =	shalt  }
0x3e: {  	_ =	shalt  }
0x3f: {  	_ =	shalt  }
0x40: {  	_ =	shalt  }
0x41: {  	_ =	shalt  }
0x42: {  	_ =	shalt  }
0x43: {  	_ =	shalt  }
0x44: {  	_ =	shalt  }
0x45: {  	_ =	shalt  }
0x46: {  	_ =	shalt  }
0x47: {  	_ =	shalt  }
0x48: {  	_ =	shalt  }
0x49: {  	_ =	shalt  }
0x4a: {  	_ =	shalt  }
0x4b: {  	_ =	shalt  }
0x4c: {  	_ =	shalt  }
0x4d: {  	_ =	shalt  }
0x4e: {  	_ =	shalt  }
0x4f: {  	_ =	shalt  }
0x50: {  	_ =	shalt  }
0x51: {  	_ =	shalt  }
0x52: {  	_ =	shalt  }
0x53: {  	_ =	shalt  }
0x54: {  	_ =	shalt  }
0x55: {  	_ =	shalt  }
0x56: {  	_ =	shalt  }
0x57: {  	_ =	shalt  }
0x58: {  	_ =	shalt  }
0x59: {  	_ =	shalt  }
0x5a: {  	_ =	shalt  }
0x5b: {  	_ =	shalt  }
0x5c: {  	_ =	shalt  }
0x5d: {  	_ =	shalt  }
0x5e: {  	_ =	shalt  }
0x5f: {  	_ =	shalt  }
0x60: {  	_ =	shalt  }
0x61: {  	_ =	shalt  }
0x62: {  	_ =	shalt  }
0x63: {  	_ =	shalt  }
0x64: {  	_ =	shalt  }
0x65: {  	_ =	shalt  }
0x66: {  	_ =	shalt  }
0x67: {  	_ =	shalt  }
0x68: {  	_ =	shalt  }
0x69: {  	_ =	shalt  }
0x6a: {  	_ =	shalt  }
0x6b: {  	_ =	shalt  }
0x6c: {  	_ =	shalt  }
0x6d: {  	_ =	shalt  }
0x6e: {  	_ =	shalt  }
0x6f: {  	_ =	shalt  }
0x70: {  	_ =	shalt  }
0x71: {  	_ =	shalt  }
0x72: {  	_ =	shalt  }
0x73: {  	_ =	shalt  }
0x74: {  	_ =	shalt  }
0x75: {  	_ =	shalt  }
0x76: {  	_ =	shalt  }
0x77: {  	_ =	shalt  }
0x78: {  	_ =	shalt  }
0x79: {  	_ =	shalt  }
0x7a: {  	_ =	shalt  }
0x7b: {  	_ =	shalt  }
0x7c: {  	_ =	shalt  }
0x7d: {  	_ =	shalt  }
0x7e: {  	_ =	shalt  }
0x7f: {  	_ =	shalt  }
0x80: {  	_ =	shalt  }
0x81: {  	_ =	shalt  }
0x82: {  	_ =	shalt  }
0x83: {  	_ =	shalt  }
0x84: {  	_ =	shalt  }
0x85: {  	_ =	shalt  }
0x86: {  	_ =	shalt  }
0x87: {  	_ =	shalt  }
.Lfunc_end0:
.L_simem_size_0:
called_computation_lowered:
.L_overlay_start_0:
0x88: {  	s0 =	sld [smem:$0x3FD9]  }
0x89: {  	s1 =	sld [smem:$0x3FFE];
	_ =	sdelay $0x3  }
0x8a: {  	s0 =	sadd.s32 s1, s0  }
0x8b: {  	[smem:$0x3FC5] =	sst s0  }
0x8c: {  	_ = 	snop  }
0x8d: {  	(tm) =	ssettm $0x1  }
0x8e: {  	s15 =	sld [smem:$0x3FFB];
	_ =	sdelay $0x3  }
0x8f: {  	_ =	strace s15  }
0x90: {  	s0 =	sld [smem:$0x3FFC];
	_ =	sdelay $0x3  }
0x91: {  	_ =	strace s0  }
0x92: {  	s0 =	sld [smem:$0x3FFD];
	_ =	sdelay $0x3  }
0x93: {  	_ =	strace s0  }
0x94: {  	_ =	strace $0x8FFFFFFF  }
0x95: {  	s16 =	sld [smem:$0x3FDB];
	_ =	sdelay $0x1  }
0x96: {  	s17 =	simm.s32 $_scs_section_size  }
0x97: {  	s2 =	simm.s32 $_size__tile_overlayer_lowered;
	s3 =	simm.s32 $_tile_overlayer_lowered  }
0x98: {  	s20 =	simm.s32 $0x1BFF;
	s19 =	sshll.u32 s3, $0x1;
	s0 =	sadd.s32 s17, s16  }
0x99: {  	s4 =	simm.s32 $0x0;
	s18 =	sshll.u32 s2, $0x1;
	s2 =	sadd.s32 s19, s0  }
0x9a: {  	[timem:s4], [sflag:s20] =	dma.local [hbm:s2], s18  }
0x9b: {  	_ =	swait.ge [sflag:s20], s18  }
0x9c: {  	s1 =	ssub.s32 $0x0, s18;
	[sflag:s20] =	ssyncset.done $0x0  }
0x9d: {  	[sflag:s20] =	ssyncadd.s32 s1;
	_ =	sdelay $0x1  }
0x9e: {  	s21 =	simm.s32 $0x1B8B  }
0x9f: {  	_ =	swait.ge [sflag:s21], $0x1  }
0xa0: {  	[sflag:s21] =	ssyncset.done $0x0  }
0xa1: {  	s23 =	simm.s32 $0x1B8E;
	s22 =	sld [smem:$0x3FFE];
	[sflag:s21] =	ssyncadd.s32 $0xFFFFFFFF  }
0xa2: {  	s24 =	simm.s32 $execute0_lowered;
	[smem:$0x3FD2] =	sst s23  }
0xa3: {  	s2 =	sshll.u32 s24, $0x1;
	_ =	strace $0x80000046;
	[dreg:$0x1] =	wrdreg $0xFFFFFFFF  }
0xa4: {  	s25 =	simm.s32 $_size_execute0_lowered;
	s0 =	sadd.s32 s0, s2;
	[dreg:$0x0] =	wrdreg $0x0  }
0xa5: {  	s2 =	sshll.u32 s25, $0x1;
	[dreg:$0x2] =	wrdreg s0  }
0xa6: {  	[dreg:$0x3] =	wrdreg s2  }
0xa7: {  	[dreg:$0x4] =	wrdreg $0xC0  }
0xa8: {  	_ =	task [dreg:s4], $0x5FFFF  }
0xa9: {  	[dreg:$0x1] =	wrdreg $0xFFFFFFFF  }
0xaa: {  	[dreg:$0x0] =	wrdreg $0x60  }
0xab: {  	[dreg:$0x2] =	wrdreg s22  }
0xac: {  	[dreg:$0x3] =	wrdreg $0x9  }
0xad: {  	_ =	task.clear_ibuf [dreg:s4], $0x4FFFF;
	_ =	strace $0x90000046  }
0xae: {  	s26 =	simm.s32 $0x9;
	_ =	strace $0x80000048  }
0xaf: {  	_ =	swait.ge [sflag:s26], $0x1  }
0xb0: {  	[sflag:s26] =	ssyncadd.s32 $0xFFFFFFFF  }
0xb1: {  	_ =	strace $0x90000048  }
0xb2: {  	_ =	sfence  }
0xb3: {  	s28 =	sld [smem:$0x0];
	_ =	sdelay $0x1  }
0xb4: {  	s29 =	srdreg.scid  }
0xb5: {  	s30 =	sshll.u32 s29, $0xD;
	s31 =	sshrl.u32 s29, $0x2  }
0xb6: {  	s1 =	sand.u32 $0x1, s29;
	s2 =	sand.u32 $0x4000, s30;
	s0 =	sadd.s32 s31, s28  }
0xb7: {  	s1 =	sor.u32 s2, s1;
	s0 =	sshll.u32 s0, $0x11  }
0xb8: {  	s0 =	sor.u32 s0, s1  }
0xb9: {  	s0 =	sadd.s32 $0x8F2B, s0  }
0xba: {  	[sflag:s0] =	ssyncadd.remote.s32 $0x1  }
0xbb: {  	_ =	sfence.sel $0xFFFF  }
0xbc: {  	[dreg:$0x0] =	wrdreg $0xFFFFFFFF;
	(pc) =	sbr.abs _section_cstart, $3  }
0xbd: {  	[dreg:$0x1] =	wrdreg $0xFFFFFFFF  }
0xbe: {  	_ =	task.clear_ibuf [dreg:s4], $0x2FFFF;
	_ =	strace $0x9FFFFFFF  }
0xbf: {  	(tm) =	ssettm $0x7FFFFFFF  }
tec
execute0_lowered:
.L_overlay_start_1:
0x0: {  	(tag) =	ssettag $0x1  }
0x1: {  	s1 =	rddreg [dreg:$0x0];
	s2 =	stileid.u32;
	v0 =	vimm.f32 $1.000000000e+00;
	vm0 =	vcmask $0x300;
	v1 =	vimm.f32 $-5.000000000e+00  }
0x2: {  	s0 =	rddreg [dreg:$0x1];
	s3 =	simm.s32 $0x0;
	vm1 =	vcmask $0xB08;
	s4 =	sshll.u32 s2, $0x6;
	v0 =	vsel vm0, $0x3FC00000, v0;
	v1 =	vsel vm0, $0xC0800000, v1  }
0x3: {  	vm10 =	vcmask $0x1310;
	[smem:$0x7FF] =	sst s3;
	s4 =	sadd.s32 s4, s1;
	v0 =	vsel vm1, $0x3FC00000, v0;
	v1 =	vsel vm1, $0xC0800000, v1  }
0x4: {  	vm11 =	vcmask $0x1B18;
	s31 =	simm.s32 $0x1;
	_ =	strace $0x80000047;
	s4 =	sadd.s32 $0x800, s4;
	v0 =	vsel vm10, $0x3FC00000, v0;
	v1 =	vsel vm10, $0xC0800000, v1  }
0x5: {  	vm12 =	vcmask $0x2320;
	[tilespmem:s3], [sflag:$0x1] =	stream.linear.gather [hbm4b:s4+s3], $0x200, $0x38;
	v0 =	vsel vm11, $0x3FC00000, v0;
	v1 =	vsel vm11, $0xC0800000, v1;
	[tilespmem:$0xA80] =	vst v63  }
0x6: {  	vm13 =	vcmask $0x2B28;
	_ =	swait.ge [sflag:s31], $0x200;
	v0 =	vsel vm12, $0x3FC00000, v0;
	v1 =	vsel vm12, $0xC0800000, v1  }
0x7: {  	vm14 =	vcmask $0x3330;
	[sflag:s31] =	ssyncset.done $0x0;
	v0 =	vsel vm13, $0x3FC00000, v0;
	v1 =	vsel vm13, $0xC0800000, v1  }
0x8: {  	vm15 =	vcmask $0x3B38;
	s5 =	simm.s32 $0x0;
	[sflag:s31] =	ssyncadd.s32 $0xFFFFFE00;
	v0 =	vsel vm14, $0x3FC00000, v0;
	v3 =	vsel vm14, $0xC0800000, v1  }
0x9: {  	v1 =	vsel vm15, $0x3FC00000, v0;
	v0 =	vsel vm15, $0xC0800000, v3;
	v3 =	vld [tilespmem:s5+$0x0];
	_ =	sdelay $0x3  }
0xa: {  	v2 =	vimm.f32 $0.0e+00;
	s3 =	sadd.s32 $0xC00, s1;
	s1 =	sadd.s32 $0xE00, s1;
	s4 =	simm.s32 $0x40  }
.LBB2_1:
0xb: {  	s5 =	sshra.s32 s4, $0x2;
	p0 =	sne.s32 s4, $0x7C0;
	s4 =	sadd.s32 $0x40, s4;
	v4 =	vsub.f32 v1, v3;
	v5 =	vmov v3  }
.Ltmp0:
0xc: {  	v3 =	vld [tilespmem:s5+$0x0];
	(pc) =	sbr.rel @p0 .LBB2_1-.Ltmp0, $4  }
0xd: {  	v5 =	vadd.f32 v0, v5;
	v4 =	vmax.f32 v4, $0.0e+00  }
0xe: {  	v2 =	vadd.f32 v4, v2  }
0xf: {  	v4 =	vmax.f32 v5, $0.0e+00  }
0x10: {  	v2 =	vadd.f32 v2, v4  }
0x11: {  	v1 =	vsub.f32 v1, v3;
	_ =	sdelay $0x1  }
0x12: {  	v0 =	vadd.f32 v0, v3;
	v1 =	vmax.f32 v1, $0.0e+00  }
0x13: {  	v1 =	vadd.f32 v1, v2  }
0x14: {  	v0 =	vmax.f32 v0, $0.0e+00  }
0x15: {  	v0 =	vadd.f32 v1, v0  }
0x16: {  	s4 =	sshll.u32 s2, $0x4;
	s5 =	simm.s32 $0x0  }
0x17: {  	s6 =	simm.s32 $0x200;
	s31 =	simm.s32 $0x1;
	s4 =	sadd.s32 s3, s4;
	[tilespmem:$0x200] =	vst v0  }
0x18: {  	[hbm4b:s4+s5] =	stream.linear.scatter [tilespmem:s6], [sflag:$0x1], $0x80, $0x38;
	[tilespmem:$0xA80] =	vst v63  }
0x19: {  	_ =	swait.ge [sflag:s31], $0x80  }
0x1a: {  	[sflag:s31] =	ssyncset.done $0x0  }
0x1b: {  	[sflag:s31] =	ssyncadd.s32 $0xFFFFFF80  }
0x1c: {  	p0 =	sne.s32 s2, $0x0;
	[bflag:$0x0] =	sbarrier.arrive $0xFFFF  }
0x1d: {  	_ =	sfence.sel @p0 $0x180000  }
0x1e: {  	[bflag:$0x0] =	sbarrier.arrive @p0 $0xFFFF  }
0x1f: {  	_ =	strace @p0 $0x90000047  }
0x20: {  	s2 =	simm.s32 @!p0 $0x0;
	s4 =	simm.s32 @!p0 $0x280;
	[bflag:$0x2] =	sbarrier.arrive @p0 $0xFFFF  }
0x21: {  	[tilespmem:s4], [sflag:$0x1] =	stream.linear.gather @!p0 [hbm4b:s3+s2], $0x800, $0x38;
	[tilespmem:$0xA80] =	vst v63  }
0x22: {  	s3 =	simm.s32 @!p0 $0x1  }
0x23: {  	_ =	swait.ge @!p0 [sflag:s3], $0x800  }
0x24: {  	[sflag:s3] =	ssyncset.done @!p0 $0x0  }
0x25: {  	[sflag:s3] =	ssyncadd.s32 @!p0 $0xFFFFF800  }
0x26: {  	v0 =	vld @!p0 [tilespmem:$0x280]  }
0x27: {  	v1 =	vld @!p0 [tilespmem:$0x300];
	_ =	sdelay $0x1  }
0x28: {  	v2 =	vld @!p0 [tilespmem:$0x380];
	_ =	sdelay $0x1  }
0x29: {  	v3 =	vld @!p0 [tilespmem:$0x400]  }
0x2a: {  	v0 =	vadd.f32 @!p0 v1, v0  }
0x2b: {  	v1 =	vld @!p0 [tilespmem:$0x480]  }
0x2c: {  	v0 =	vadd.f32 @!p0 v2, v0  }
0x2d: {  	v2 =	vld @!p0 [tilespmem:$0x500]  }
0x2e: {  	v0 =	vadd.f32 @!p0 v3, v0  }
0x2f: {  	v3 =	vld @!p0 [tilespmem:$0x580]  }
0x30: {  	v0 =	vadd.f32 @!p0 v1, v0  }
0x31: {  	v1 =	vld @!p0 [tilespmem:$0x600]  }
0x32: {  	v0 =	vadd.f32 @!p0 v2, v0  }
0x33: {  	v2 =	vld @!p0 [tilespmem:$0x680]  }
0x34: {  	v0 =	vadd.f32 @!p0 v3, v0  }
0x35: {  	v3 =	vld @!p0 [tilespmem:$0x700]  }
0x36: {  	v0 =	vadd.f32 @!p0 v1, v0  }
0x37: {  	v1 =	vld @!p0 [tilespmem:$0x780]  }
0x38: {  	v0 =	vadd.f32 @!p0 v2, v0  }
0x39: {  	v2 =	vld @!p0 [tilespmem:$0x800]  }
0x3a: {  	v0 =	vadd.f32 @!p0 v3, v0  }
0x3b: {  	v3 =	vld @!p0 [tilespmem:$0x880]  }
0x3c: {  	v0 =	vadd.f32 @!p0 v1, v0  }
0x3d: {  	v1 =	vld @!p0 [tilespmem:$0x900]  }
0x3e: {  	v0 =	vadd.f32 @!p0 v2, v0  }
0x3f: {  	v2 =	vld @!p0 [tilespmem:$0x980]  }
0x40: {  	v0 =	vadd.f32 @!p0 v3, v0  }
0x41: {  	v3 =	vld @!p0 [tilespmem:$0xA00]  }
0x42: {  	v0 =	vadd.f32 @!p0 v1, v0;
	_ =	sdelay $0x1  }
0x43: {  	v0 =	vadd.f32 @!p0 v2, v0;
	_ =	sdelay $0x1  }
0x44: {  	v0 =	vadd.f32 @!p0 v3, v0;
	_ =	sdelay $0x1  }
0x45: {  	s4 =	simm.s32 @!p0 $0x200;
	[tilespmem:$0x200] =	vst @!p0 v0  }
0x46: {  	[hbm4b:s1+s2] =	stream.linear.scatter @!p0 [tilespmem:s4], [sflag:$0x1], $0x80, $0x38;
	[tilespmem:$0xA80] =	vst v63  }
0x47: {  	_ =	swait.ge @!p0 [sflag:s3], $0x80  }
0x48: {  	[sflag:s3] =	ssyncset.done @!p0 $0x0  }
0x49: {  	[sflag:s3] =	ssyncadd.s32 @!p0 $0xFFFFFF80  }
0x4a: {  	_ =	sfence.sel @!p0 $0x180000  }
0x4b: {  	[bflag:$0x0] =	sbarrier.arrive @!p0 $0xFFFF  }
0x4c: {  	_ =	strace @!p0 $0x90000047  }
0x4d: {  	s0 =	sadd.s32 @!p0 $0x100000, s0;
	[bflag:$0x2] =	sbarrier.arrive @!p0 $0xFFFF  }
0x4e: {  	[sflag:s0] =	ssyncadd.tile.s32 @!p0 $0x1;
	_ =	shalt  }
.Lfunc_end2:
_tile_overlayer_lowered:
.L_overlay_start_2:
0x4f: {  	(tag) =	ssettag $0x2  }
0x50: {  	s0 =	rddreg [dreg:$0x0];
	s2 =	stileid.u32  }
0x51: {  	s1 =	rddreg [dreg:$0x1];
	p0 =	sne.s32 s2, $0x0  }
0x52: {  	s3 =	rddreg [dreg:$0x2];
	[bflag:$0x3] =	sbarrier.arrive $0xFFFF;
	s2 =	simm.s32 @!p0 $0x1C01  }
0x53: {  	[timem:s3], [sflag:s2] =	dma.local @!p0 [hbm:s0], s1  }
0x54: {  	s0 =	simm.s32 @!p0 $0x1  }
0x55: {  	_ =	swait.ge @!p0 [sflag:s0], s1  }
0x56: {  	s1 =	ssub.s32 @!p0 $0x0, s1;
	[sflag:s0] =	ssyncset.done @!p0 $0x0  }
0x57: {  	[sflag:s0] =	ssyncadd.s32 @!p0 s1  }
0x58: {  	[bflag:$0x3] =	sbarrier.arrive $0xFFFF  }
0x59: {  	_ =	shalt  }

</sc_bundles>
